<compile_context>
chip_gen: v7x
topology: tpu7x:2x2x1
jax: 0.10.2.dev20260603
libtpu: 0.0.44.dev20260713+nightly
codegen_flags: <defaults>
</compile_context>

<pallas_src>
import functools

import jax
import jax.numpy as jnp
from jax import lax
from jax.experimental import pallas as pl
from jax.experimental.pallas import tpu as pltpu
from jax.experimental.pallas import tpu_sc as plsc


def _sc_gather_rows(table, idx):
    info = plsc.get_sparse_core_info()
    nc, ns = info.num_cores, info.num_subcores
    nw = nc * ns
    b = idx.shape[0]
    d = table.shape[1]
    b_per_w = b // nw
    mesh = plsc.VectorSubcoreMesh(core_axis_name="c", subcore_axis_name="s")

    @functools.partial(
        pl.kernel,
        mesh=mesh,
        out_type=jax.ShapeDtypeStruct((b, d), table.dtype),
        scratch_types=[
            pltpu.VMEM((b_per_w,), jnp.int32),
            pltpu.VMEM((b_per_w, d), jnp.float32),
            pltpu.SemaphoreType.DMA,
        ],
    )
    def gather_k(table_hbm, idx_hbm, out_hbm, idx_v, rows_v, sem):
        wid = lax.axis_index("s") * nc + lax.axis_index("c")
        base = wid * b_per_w
        pltpu.sync_copy(idx_hbm.at[pl.ds(base, b_per_w)], idx_v)
        pltpu.async_copy(table_hbm.at[idx_v], rows_v, sem).wait()
        pltpu.sync_copy(rows_v, out_hbm.at[pl.ds(base, b_per_w)])

    return gather_k(table, idx)


def _reduce_body(n_genes, n_emb, c_sub, *refs):
    *x_refs, wb_ref, o_ref = refs
    wb = wb_ref[...]
    w = wb[:n_genes, :n_emb]
    bias = wb[:n_genes, n_emb]
    for j, x_ref in enumerate(x_refs):
        x = x_ref[...]
        y = jnp.swapaxes(x * w[None, :, :], 1, 2)
        acc = jnp.sum(y, axis=1)
        o_ref[j * c_sub:(j + 1) * c_sub, :] = acc * 10.0 + bias[None, :]


def kernel(cell_gene_embedding, gene_ix, weight1, bias1):
    n_cells, n_genes, n_emb = cell_gene_embedding.shape

    d_pad = 128
    b_pad = -(-n_genes // 256) * 256
    wb = jnp.zeros((n_genes, d_pad), jnp.float32)
    wb = wb.at[:, :n_emb].set(weight1).at[:, n_emb].set(bias1)
    idx = jnp.zeros((b_pad,), jnp.int32).at[:n_genes].set(gene_ix)

    wb_g = _sc_gather_rows(wb, idx)

    c_blk, n_split = 64, 4
    c_sub = c_blk // n_split
    x_specs = [
        pl.BlockSpec(
            (c_sub, n_genes, n_emb),
            functools.partial(lambda j, i: (n_split * i + j, 0, 0), j),
        )
        for j in range(n_split)
    ]
    out = pl.pallas_call(
        functools.partial(_reduce_body, n_genes, n_emb, c_sub),
        grid=(n_cells // c_blk,),
        in_specs=x_specs + [pl.BlockSpec((b_pad, d_pad), lambda i: (0, 0))],
        out_specs=pl.BlockSpec((c_blk, n_genes), lambda i: (i, 0)),
        out_shape=jax.ShapeDtypeStruct((n_cells, n_genes), jnp.float32),
        compiler_params=pltpu.CompilerParams(
            dimension_semantics=("arbitrary",),
        ),
    )(*([cell_gene_embedding] * n_split), wb_g)
    return out

# --- scband reference (transcript-rebuilt; emitter-appended) ---
"""Pipeline reference for scband-embedding-to-expression-52475910422529 (READ-ONLY COPY).

The authoritative reference and input builder live on the scoring server;
editing this copy changes nothing except your own understanding.
"""

import jax, jax.numpy as jnp
import numpy as np

N_CELLS = 1024
N_GENES = 500
N_EMB = 100

def setup_inputs(seed: int = 0):
    key = jax.random.key(seed)
    k1, k2 = jax.random.split(key)
    cell_gene_embedding = jax.random.normal(k1, (N_CELLS, N_GENES, N_EMB), dtype=jnp.float32)
    gene_ix = jax.random.randint(k2, (N_GENES,), 0, N_GENES, dtype=jnp.int32)
    # learned parameters sized per init_kwargs
    weight1 = jnp.ones((N_GENES, N_EMB), dtype=jnp.float32) / 10.0
    bias1 = jnp.zeros((N_GENES,), dtype=jnp.float32)  # mean_gene_expression init
    return {"cell_gene_embedding": cell_gene_embedding, "gene_ix": gene_ix, "weight1": weight1, "bias1": bias1}

def reference(cell_gene_embedding, gene_ix, weight1, bias1):
    # faithful translation of: (cell_gene_embedding * self.weight1[gene_ix] * 10).sum(-1) + self.bias1[gene_ix]
    w = jnp.take(weight1, gene_ix, axis=0)            # gather [G, E]
    b = jnp.take(bias1, gene_ix, axis=0)              # gather [G]
    return (cell_gene_embedding * w * 10.0).sum(-1) + b

if __name__ == "__main__":
    import jax
    _d = setup_inputs()
    print(jax.jit(kernel)(*tuple(_d.values())))

</pallas_src>

<mosaic_0001>
#map = affine_map<(d0, d1) -> (0, 0)>
#map1 = affine_map<(d0, d1) -> (0)>
module attributes {stable_mosaic.version = 14 : i64} {
  func.func @gather_k(%arg0: i32, %arg1: i32, %arg2: memref<500x128xf32, #tpu.memory_space<hbm>>, %arg3: memref<512xi32, #tpu.memory_space<hbm>>, %arg4: memref<512x128xf32, #tpu.memory_space<hbm>>, %arg5: memref<16xi32, #tpu.memory_space<vmem>>, %arg6: memref<16x128xf32, #tpu.memory_space<vmem>>, %arg7: memref<!tpu.dma_semaphore, #tpu.memory_space<semaphore_mem>>) attributes {dimension_semantics = [#tpu.dimension_semantics<core_parallel>, #tpu.dimension_semantics<subcore_parallel>], iteration_bounds = array<i64: 2, 16>, scalar_prefetch = 0 : i64, scratch_operands = 3 : i64, tpu.core_type = #tpu.core_type<sc_vector_subcore>, window_params = [{transform_indices = #map}, {transform_indices = #map1}, {transform_indices = #map}]} {
    %mul3A = arith.constant 2 : i32
    %mul3A_0 = arith.muli %arg1, %mul3A : i32
    %add3A = arith.addi %mul3A_0, %arg0 : i32
    %mul3A_1 = arith.constant 16 : i32
    %mul3A_2 = arith.muli %add3A, %mul3A_1 : i32
    "tpu.region"() ({
      %run_scoped3A = tpu.sem_alloc : memref<!tpu.dma_semaphore, #tpu.memory_space<semaphore_mem>>
      %dma_start3A_7 = tpu.memref_slice %arg3[%mul3A_2] : memref<512xi32, #tpu.memory_space<hbm>> -> memref<16xi32, #tpu.memory_space<hbm>>
      %dma_start3A_8 = tpu.memref_slice %arg3[%mul3A_2] : memref<512xi32, #tpu.memory_space<hbm>> -> memref<16xi32, #tpu.memory_space<hbm>>
      tpu.enqueue_dma source(%dma_start3A_8 : memref<16xi32, #tpu.memory_space<hbm>>) target(%arg5 : memref<16xi32, #tpu.memory_space<vmem>>) target_semaphore(%run_scoped3A : memref<!tpu.dma_semaphore, #tpu.memory_space<semaphore_mem>>)
      %dma_wait3A_9 = tpu.memref_slice %arg3[%mul3A_2] : memref<512xi32, #tpu.memory_space<hbm>> -> memref<16xi32, #tpu.memory_space<hbm>>
      %dma_wait3A_10 = tpu.memref_slice %arg3[%mul3A_2] : memref<512xi32, #tpu.memory_space<hbm>> -> memref<16xi32, #tpu.memory_space<hbm>>
      tpu.wait_dma2 semaphore(%run_scoped3A : memref<!tpu.dma_semaphore, #tpu.memory_space<semaphore_mem>>) src(%dma_wait3A_10 : memref<16xi32, #tpu.memory_space<hbm>>) dst(%arg5 : memref<16xi32, #tpu.memory_space<vmem>>)
      tpu.yield
    }) : () -> ()
    %dma_start3A = arith.constant 0 : i32
    %dma_start3A_3 = arith.constant 0 : i32
    %dma_start3A_4 = tpu.memref_slice %arg2[%dma_start3A, %dma_start3A_3] : memref<500x128xf32, #tpu.memory_space<hbm>> -> memref<500x128xf32, #tpu.memory_space<hbm>>
    tpu.enqueue_indirect_dma source(%dma_start3A_4 : memref<500x128xf32, #tpu.memory_space<hbm>>) target(%arg6 : memref<16x128xf32, #tpu.memory_space<vmem>>) offsets(%arg5 : memref<16xi32, #tpu.memory_space<vmem>>) semaphore(%arg7 : memref<!tpu.dma_semaphore, #tpu.memory_space<semaphore_mem>>)
    %dma_wait3A = arith.constant 0 : i32
    %dma_wait3A_5 = arith.constant 0 : i32
    %dma_wait3A_6 = tpu.memref_slice %arg2[%dma_wait3A, %dma_wait3A_5] : memref<500x128xf32, #tpu.memory_space<hbm>> -> memref<500x128xf32, #tpu.memory_space<hbm>>
    tpu.wait_indirect_dma semaphore(%arg7 : memref<!tpu.dma_semaphore, #tpu.memory_space<semaphore_mem>>) src(%dma_wait3A_6 : memref<500x128xf32, #tpu.memory_space<hbm>>) dst(%arg6 : memref<16x128xf32, #tpu.memory_space<vmem>>)
    "tpu.region"() ({
      %run_scoped3A = tpu.sem_alloc : memref<!tpu.dma_semaphore, #tpu.memory_space<semaphore_mem>>
      %dma_start3A_7 = arith.constant 0 : i32
      %dma_start3A_8 = tpu.memref_slice %arg4[%mul3A_2, %dma_start3A_7] : memref<512x128xf32, #tpu.memory_space<hbm>> -> memref<16x128xf32, #tpu.memory_space<hbm>>
      %dma_start3A_9 = arith.constant 0 : i32
      %dma_start3A_10 = tpu.memref_slice %arg4[%mul3A_2, %dma_start3A_9] : memref<512x128xf32, #tpu.memory_space<hbm>> -> memref<16x128xf32, #tpu.memory_space<hbm>>
      tpu.enqueue_dma source(%arg6 : memref<16x128xf32, #tpu.memory_space<vmem>>) target(%dma_start3A_10 : memref<16x128xf32, #tpu.memory_space<hbm>>) target_semaphore(%run_scoped3A : memref<!tpu.dma_semaphore, #tpu.memory_space<semaphore_mem>>)
      %dma_wait3A_11 = arith.constant 0 : i32
      %dma_wait3A_12 = tpu.memref_slice %arg4[%mul3A_2, %dma_wait3A_11] : memref<512x128xf32, #tpu.memory_space<hbm>> -> memref<16x128xf32, #tpu.memory_space<hbm>>
      %dma_wait3A_13 = arith.constant 0 : i32
      %dma_wait3A_14 = tpu.memref_slice %arg4[%mul3A_2, %dma_wait3A_13] : memref<512x128xf32, #tpu.memory_space<hbm>> -> memref<16x128xf32, #tpu.memory_space<hbm>>
      tpu.wait_dma2 semaphore(%run_scoped3A : memref<!tpu.dma_semaphore, #tpu.memory_space<semaphore_mem>>) src(%arg6 : memref<16x128xf32, #tpu.memory_space<vmem>>) dst(%dma_wait3A_14 : memref<16x128xf32, #tpu.memory_space<hbm>>)
      tpu.yield
    }) : () -> ()
    return
  }
}

module attributes {stable_mosaic.version = 14 : i64} {
  func.func @_reduce_body(%arg0: i32, %arg1: memref<16x500x100xf32, #tpu.memory_space<vmem>>, %arg2: memref<16x500x100xf32, #tpu.memory_space<vmem>>, %arg3: memref<16x500x100xf32, #tpu.memory_space<vmem>>, %arg4: memref<16x500x100xf32, #tpu.memory_space<vmem>>, %arg5: memref<512x128xf32, #tpu.memory_space<vmem>>, %arg6: memref<64x500xf32, #tpu.memory_space<vmem>>) attributes {dimension_semantics = [#tpu.dimension_semantics<arbitrary>], iteration_bounds = array<i64: 16>, scalar_prefetch = 0 : i64, scratch_operands = 0 : i64, tpu.core_type = #tpu.core_type<tc>, window_params = [{transform_indices = @transform_0, window_bounds = array<i64: 16, 500, 100>}, {transform_indices = @transform_1, window_bounds = array<i64: 16, 500, 100>}, {transform_indices = @transform_2, window_bounds = array<i64: 16, 500, 100>}, {transform_indices = @transform_3, window_bounds = array<i64: 16, 500, 100>}, {pipeline_mode = #tpu.pipeline_mode<synchronous>, transform_indices = @transform_4, window_bounds = array<i64: 512, 128>}, {transform_indices = @transform_5, window_bounds = array<i64: 64, 500>}]} {
    %get3A = arith.constant 0 : index
    %get3A_0 = arith.constant 0 : index
    %get3A_1 = vector.load %arg5[%get3A, %get3A_0] : memref<512x128xf32, #tpu.memory_space<vmem>>, vector<512x128xf32>
    %slice3A = vector.extract_strided_slice %get3A_1 {offsets = [0, 0], sizes = [500, 100], strides = [1, 1]} : vector<512x128xf32> to vector<500x100xf32>
    %slice3A_2 = vector.extract_strided_slice %get3A_1 {offsets = [0, 100], sizes = [500, 1], strides = [1, 1]} : vector<512x128xf32> to vector<500x1xf32>
    %squeeze3A = vector.shape_cast %slice3A_2 : vector<500x1xf32> to vector<500xf32>
    %get3A_3 = arith.constant 0 : index
    %get3A_4 = arith.constant 0 : index
    %get3A_5 = arith.constant 0 : index
    %get3A_6 = vector.load %arg1[%get3A_3, %get3A_4, %get3A_5] : memref<16x500x100xf32, #tpu.memory_space<vmem>>, vector<16x500x100xf32>
    %broadcast_in_dim3A = vector.shape_cast %slice3A : vector<500x100xf32> to vector<1x500x100xf32>
    %mul3A = vector.broadcast %broadcast_in_dim3A : vector<1x500x100xf32> to vector<16x500x100xf32>
    %mul3A_7 = arith.mulf %get3A_6, %mul3A : vector<16x500x100xf32>
    %transpose3A = tpu.transpose %mul3A_7, [0, 2, 1] : vector<16x500x100xf32> -> vector<16x100x500xf32>
    %reduce_sum3A = arith.constant dense<0.000000e+00> : vector<16x500xf32>
    %reduce_sum3A_8 = vector.multi_reduction <add>, %transpose3A, %reduce_sum3A [1] : vector<16x100x500xf32> to vector<16x500xf32>
    %mul3A_9 = arith.constant 1.000000e+01 : f32
    %mul3A_10 = vector.broadcast %mul3A_9 : f32 to vector<16x500xf32>
    %mul3A_11 = arith.mulf %reduce_sum3A_8, %mul3A_10 : vector<16x500xf32>
    %broadcast_in_dim3A_12 = vector.shape_cast %squeeze3A : vector<500xf32> to vector<1x500xf32>
    %add3A = vector.broadcast %broadcast_in_dim3A_12 : vector<1x500xf32> to vector<16x500xf32>
    %add3A_13 = arith.addf %mul3A_11, %add3A : vector<16x500xf32>
    %swap3A = arith.constant 0 : index
    %swap3A_14 = arith.constant 0 : index
    %swap3A_15 = vector.load %arg6[%swap3A, %swap3A_14] : memref<64x500xf32, #tpu.memory_space<vmem>>, vector<16x500xf32>
    tpu.vector_store %arg6[%swap3A, %swap3A_14], %add3A_13 {strides = array<i32>} : memref<64x500xf32, #tpu.memory_space<vmem>>, vector<16x500xf32>,
    %get3A_16 = arith.constant 0 : index
    %get3A_17 = arith.constant 0 : index
    %get3A_18 = arith.constant 0 : index
    %get3A_19 = vector.load %arg2[%get3A_16, %get3A_17, %get3A_18] : memref<16x500x100xf32, #tpu.memory_space<vmem>>, vector<16x500x100xf32>
    %broadcast_in_dim3A_20 = vector.shape_cast %slice3A : vector<500x100xf32> to vector<1x500x100xf32>
    %mul3A_21 = vector.broadcast %broadcast_in_dim3A_20 : vector<1x500x100xf32> to vector<16x500x100xf32>
    %mul3A_22 = arith.mulf %get3A_19, %mul3A_21 : vector<16x500x100xf32>
    %transpose3A_23 = tpu.transpose %mul3A_22, [0, 2, 1] : vector<16x500x100xf32> -> vector<16x100x500xf32>
    %reduce_sum3A_24 = arith.constant dense<0.000000e+00> : vector<16x500xf32>
    %reduce_sum3A_25 = vector.multi_reduction <add>, %transpose3A_23, %reduce_sum3A_24 [1] : vector<16x100x500xf32> to vector<16x500xf32>
    %mul3A_26 = arith.constant 1.000000e+01 : f32
    %mul3A_27 = vector.broadcast %mul3A_26 : f32 to vector<16x500xf32>
    %mul3A_28 = arith.mulf %reduce_sum3A_25, %mul3A_27 : vector<16x500xf32>
    %broadcast_in_dim3A_29 = vector.shape_cast %squeeze3A : vector<500xf32> to vector<1x500xf32>
    %add3A_30 = vector.broadcast %broadcast_in_dim3A_29 : vector<1x500xf32> to vector<16x500xf32>
    %add3A_31 = arith.addf %mul3A_28, %add3A_30 : vector<16x500xf32>
    %swap3A_32 = arith.constant 16 : index
    %swap3A_33 = arith.constant 0 : index
    %swap3A_34 = vector.load %arg6[%swap3A_32, %swap3A_33] : memref<64x500xf32, #tpu.memory_space<vmem>>, vector<16x500xf32>
    tpu.vector_store %arg6[%swap3A_32, %swap3A_33], %add3A_31 {strides = array<i32>} : memref<64x500xf32, #tpu.memory_space<vmem>>, vector<16x500xf32>,
    %get3A_35 = arith.constant 0 : index
    %get3A_36 = arith.constant 0 : index
    %get3A_37 = arith.constant 0 : index
    %get3A_38 = vector.load %arg3[%get3A_35, %get3A_36, %get3A_37] : memref<16x500x100xf32, #tpu.memory_space<vmem>>, vector<16x500x100xf32>
    %broadcast_in_dim3A_39 = vector.shape_cast %slice3A : vector<500x100xf32> to vector<1x500x100xf32>
    %mul3A_40 = vector.broadcast %broadcast_in_dim3A_39 : vector<1x500x100xf32> to vector<16x500x100xf32>
    %mul3A_41 = arith.mulf %get3A_38, %mul3A_40 : vector<16x500x100xf32>
    %transpose3A_42 = tpu.transpose %mul3A_41, [0, 2, 1] : vector<16x500x100xf32> -> vector<16x100x500xf32>
    %reduce_sum3A_43 = arith.constant dense<0.000000e+00> : vector<16x500xf32>
    %reduce_sum3A_44 = vector.multi_reduction <add>, %transpose3A_42, %reduce_sum3A_43 [1] : vector<16x100x500xf32> to vector<16x500xf32>
    %mul3A_45 = arith.constant 1.000000e+01 : f32
    %mul3A_46 = vector.broadcast %mul3A_45 : f32 to vector<16x500xf32>
    %mul3A_47 = arith.mulf %reduce_sum3A_44, %mul3A_46 : vector<16x500xf32>
    %broadcast_in_dim3A_48 = vector.shape_cast %squeeze3A : vector<500xf32> to vector<1x500xf32>
    %add3A_49 = vector.broadcast %broadcast_in_dim3A_48 : vector<1x500xf32> to vector<16x500xf32>
    %add3A_50 = arith.addf %mul3A_47, %add3A_49 : vector<16x500xf32>
    %swap3A_51 = arith.constant 32 : index
    %swap3A_52 = arith.constant 0 : index
    %swap3A_53 = vector.load %arg6[%swap3A_51, %swap3A_52] : memref<64x500xf32, #tpu.memory_space<vmem>>, vector<16x500xf32>
    tpu.vector_store %arg6[%swap3A_51, %swap3A_52], %add3A_50 {strides = array<i32>} : memref<64x500xf32, #tpu.memory_space<vmem>>, vector<16x500xf32>,
    %get3A_54 = arith.constant 0 : index
    %get3A_55 = arith.constant 0 : index
    %get3A_56 = arith.constant 0 : index
    %get3A_57 = vector.load %arg4[%get3A_54, %get3A_55, %get3A_56] : memref<16x500x100xf32, #tpu.memory_space<vmem>>, vector<16x500x100xf32>
    %broadcast_in_dim3A_58 = vector.shape_cast %slice3A : vector<500x100xf32> to vector<1x500x100xf32>
    %mul3A_59 = vector.broadcast %broadcast_in_dim3A_58 : vector<1x500x100xf32> to vector<16x500x100xf32>
    %mul3A_60 = arith.mulf %get3A_57, %mul3A_59 : vector<16x500x100xf32>
    %transpose3A_61 = tpu.transpose %mul3A_60, [0, 2, 1] : vector<16x500x100xf32> -> vector<16x100x500xf32>
    %reduce_sum3A_62 = arith.constant dense<0.000000e+00> : vector<16x500xf32>
    %reduce_sum3A_63 = vector.multi_reduction <add>, %transpose3A_61, %reduce_sum3A_62 [1] : vector<16x100x500xf32> to vector<16x500xf32>
    %mul3A_64 = arith.constant 1.000000e+01 : f32
    %mul3A_65 = vector.broadcast %mul3A_64 : f32 to vector<16x500xf32>
    %mul3A_66 = arith.mulf %reduce_sum3A_63, %mul3A_65 : vector<16x500xf32>
    %broadcast_in_dim3A_67 = vector.shape_cast %squeeze3A : vector<500xf32> to vector<1x500xf32>
    %add3A_68 = vector.broadcast %broadcast_in_dim3A_67 : vector<1x500xf32> to vector<16x500xf32>
    %add3A_69 = arith.addf %mul3A_66, %add3A_68 : vector<16x500xf32>
    %swap3A_70 = arith.constant 48 : index
    %swap3A_71 = arith.constant 0 : index
    %swap3A_72 = vector.load %arg6[%swap3A_70, %swap3A_71] : memref<64x500xf32, #tpu.memory_space<vmem>>, vector<16x500xf32>
    tpu.vector_store %arg6[%swap3A_70, %swap3A_71], %add3A_69 {strides = array<i32>} : memref<64x500xf32, #tpu.memory_space<vmem>>, vector<16x500xf32>,
    return
  }
  func.func @transform_0(%arg0: i32) -> (i32, i32, i32) {
    %mul3A = arith.constant 4 : i32
    %mul3A_0 = arith.muli %mul3A, %arg0 : i32
    %add3A = arith.constant 0 : i32
    %add3A_1 = arith.addi %mul3A_0, %add3A : i32
    %c0_i32 = arith.constant 0 : i32
    %c0_i32_2 = arith.constant 0 : i32
    %c0_i32_3 = arith.constant 0 : i32
    return %add3A_1, %c0_i32, %c0_i32_2 : i32, i32, i32
  }
  func.func @transform_1(%arg0: i32) -> (i32, i32, i32) {
    %mul3A = arith.constant 4 : i32
    %mul3A_0 = arith.muli %mul3A, %arg0 : i32
    %add3A = arith.constant 1 : i32
    %add3A_1 = arith.addi %mul3A_0, %add3A : i32
    %c0_i32 = arith.constant 0 : i32
    %c0_i32_2 = arith.constant 0 : i32
    %c0_i32_3 = arith.constant 0 : i32
    return %add3A_1, %c0_i32, %c0_i32_2 : i32, i32, i32
  }
  func.func @transform_2(%arg0: i32) -> (i32, i32, i32) {
    %mul3A = arith.constant 4 : i32
    %mul3A_0 = arith.muli %mul3A, %arg0 : i32
    %add3A = arith.constant 2 : i32
    %add3A_1 = arith.addi %mul3A_0, %add3A : i32
    %c0_i32 = arith.constant 0 : i32
    %c0_i32_2 = arith.constant 0 : i32
    %c0_i32_3 = arith.constant 0 : i32
    return %add3A_1, %c0_i32, %c0_i32_2 : i32, i32, i32
  }
  func.func @transform_3(%arg0: i32) -> (i32, i32, i32) {
    %mul3A = arith.constant 4 : i32
    %mul3A_0 = arith.muli %mul3A, %arg0 : i32
    %add3A = arith.constant 3 : i32
    %add3A_1 = arith.addi %mul3A_0, %add3A : i32
    %c0_i32 = arith.constant 0 : i32
    %c0_i32_2 = arith.constant 0 : i32
    %c0_i32_3 = arith.constant 0 : i32
    return %add3A_1, %c0_i32, %c0_i32_2 : i32, i32, i32
  }
  func.func @transform_4(%arg0: i32) -> (i32, i32) {
    %c0_i32 = arith.constant 0 : i32
    %c0_i32_0 = arith.constant 0 : i32
    %c0_i32_1 = arith.constant 0 : i32
    return %c0_i32, %c0_i32_0 : i32, i32
  }
  func.func @transform_5(%arg0: i32) -> (i32, i32) {
    %c0_i32 = arith.constant 0 : i32
    %c0_i32_0 = arith.constant 0 : i32
    return %arg0, %c0_i32 : i32, i32
  }
}

</mosaic_0001>

<sc_bundles>
// kernel: kernel.4.cloned.1.call-start
scs
__scs_entry_jumppad:
0x0: {  	(pc) =	sbr.rel $0x88, $3  }
0x1: {  	(tag) =	ssettag $0x0;
	lr =	simm.s32 $0x1  }
0x2: {  	[smem:$0x3F9D] =	sst lr;
	_ =	strace $0xD0000000  }
0x3: {  	_ = 	snop  }
0x4: {  	_ = 	snop  }
0x5: {  	_ = 	snop  }
0x6: {  	_ = 	snop  }
0x7: {  	_ = 	snop  }
__scs_overlays_trampoline_lowered:
0x8: {  	[smem:$0x3FAC] =	sst s0  }
0x9: {  	[smem:$0x3FAD] =	sst s1  }
0xa: {  	[smem:$0x3FAE] =	sst s2  }
0xb: {  	[smem:$0x3FAF] =	sst s3  }
0xc: {  	[smem:$0x3FB0] =	sst s4  }
0xd: {  	[smem:$0x3FB1] =	sst s5  }
0xe: {  	[smem:$0x3FB2] =	sst s6  }
0xf: {  	[smem:$0x3FB3] =	sst s7  }
0x10: {  	[smem:$0x3FB4] =	sst s8  }
0x11: {  	[smem:$0x3FB5] =	sst s9;
	s0 =	simm.s32 @!p0 $0x0  }
0x12: {  	s1 =	sld [smem:$0x3F9B];
	s0 =	simm.s32 @p0 $0x1  }
0x13: {  	[smem:$0x3FB6] =	sst s0;
	s0 =	simm.s32 @!p1 $0x0  }
0x14: {  	s2 =	sld [smem:$0x3F9A];
	s0 =	simm.s32 @p1 $0x1  }
0x15: {  	[smem:$0x3FB7] =	sst s0;
	s0 =	simm.s32 @!p2 $0x0  }
0x16: {  	s3 =	sld [smem:$0x3FDB];
	s0 =	simm.s32 @p2 $0x1  }
0x17: {  	s4 =	simm.s32 $0x1BF5;
	[smem:$0x3FB9] =	sst s0  }
0x18: {  	s0 =	sld [smem:$0x3F9C];
	_ =	swait.ge [sflag:s4], $0x0  }
0x19: {  	s7 =	sld [smem:$0x3F9D]  }
0x1a: {  	s8 =	sadd.s32 $0xFFFFE003, lr  }
0x1b: {  	s9 =	sadd.s32 $0xFFFFFEF7, lr;
	s5 =	simm.s32 $0xFFFFFFFF;
	p2 =	slt.u32 s8, $0xFFFFF086  }
0x1c: {  	p1 =	slt.u32 s9, $0xF7A;
	s5 =	simm.s32 @!p2 $0x0  }
0x1d: {  	s5 =	simm.s32 @p1 $0x1;
	p0 =	seq.s32 s7, s2  }
0x1e: {  	s7 =	smul.u32 @!p0 $0xF7A, s2;
	p2 =	seq.s32 @!p0 s5, $0x0  }
0x1f: {  	s9 =	smul.u32 $0xF7A, s1;
	s8 =	simm.s32 @!p0 $0x1BF5;
	p2 =	por !p2, p0  }
0x20: {  	[sflag:s8] =	ssyncset.s32 @!p0 $0xFFFFF086;
	s6 =	sadd.s32 @!p0 s3, s7;
	s7 =	simm.s32 @!p0 $0x108  }
0x21: {  	s3 =	sadd.s32 s3, s9;
	s6 =	sadd.s32 @!p0 $0x88, s6;
	s7 =	simm.s32 @p2 $0x1082  }
0x22: {  	[simem:s7], [sflag:s8] =	dma.local @!p0 [hbm:s6], $0xF7A  }
0x23: {  	s9 =	sor.u32 $0xD0000000, s2;
	s6 =	simm.s32 $0x108;
	_ =	swait.ge @!p0 [sflag:s8], $0x0  }
0x24: {  	s3 =	sadd.s32 $0x88, s3;
	s6 =	simm.s32 @!p1 $0x1082;
	[sflag:s4] =	ssyncset.s32 $0xFFFFF086  }
0x25: {  	[simem:s6], [sflag:s4] =	dma.local [hbm:s3], $0xF7A  }
0x26: {  	[smem:$0x3F9D] =	sst s1;
	(tag) =	ssettag s2;
	_ =	strace s9  }
0x27: {  	s1 =	sld [smem:$0x3FAD]  }
0x28: {  	s2 =	sld [smem:$0x3FAE]  }
0x29: {  	s4 =	sld [smem:$0x3FB0]  }
0x2a: {  	p0 =	seq.s32 s5, $0x0;
	s5 =	sld [smem:$0x3FB1]  }
0x2b: {  	s6 =	sld [smem:$0x3FB2]  }
0x2c: {  	s7 =	sld [smem:$0x3FB3]  }
0x2d: {  	s3 =	simm.s32 $0x108;
	s8 =	sld [smem:$0x3FB4]  }
0x2e: {  	s3 =	simm.s32 @!p0 $0x1082;
	s9 =	sld [smem:$0x3FB5]  }
0x2f: {  	lr =	sadd.s32 s0, s3;
	s0 =	sld [smem:$0x3FAC]  }
0x30: {  	s3 =	sld [smem:$0x3FAF]  }
0x31: {  	[smem:$0x3FB8] =	sst s10  }
0x32: {  	s10 =	sld [smem:$0x3FB6];
	_ =	sdelay $0x3  }
0x33: {  	p0 =	seq.s32 s10, $0x1;
	s10 =	sld [smem:$0x3FB8];
	_ =	sdelay $0x3  }
0x34: {  	[smem:$0x3FB8] =	sst s10  }
0x35: {  	s10 =	sld [smem:$0x3FB7];
	_ =	sdelay $0x3  }
0x36: {  	p1 =	seq.s32 s10, $0x1;
	s10 =	sld [smem:$0x3FB8];
	_ =	sdelay $0x3  }
0x37: {  	[smem:$0x3FB8] =	sst s10  }
0x38: {  	s10 =	sld [smem:$0x3FB9]  }
0x39: {  	_ = 	snop;
	(pc) =	sbr.ind lr, $3  }
0x3a: {  	_ = 	snop  }
0x3b: {  	_ = 	snop  }
0x3c: {  	p2 =	seq.s32 s10, $0x1;
	s10 =	sld [smem:$0x3FB8]  }
0x3d: {  	_ =	shalt  }
0x3e: {  	_ =	shalt  }
0x3f: {  	_ =	shalt  }
0x40: {  	_ =	shalt  }
0x41: {  	_ =	shalt  }
0x42: {  	_ =	shalt  }
0x43: {  	_ =	shalt  }
0x44: {  	_ =	shalt  }
0x45: {  	_ =	shalt  }
0x46: {  	_ =	shalt  }
0x47: {  	_ =	shalt  }
0x48: {  	_ =	shalt  }
0x49: {  	_ =	shalt  }
0x4a: {  	_ =	shalt  }
0x4b: {  	_ =	shalt  }
0x4c: {  	_ =	shalt  }
0x4d: {  	_ =	shalt  }
0x4e: {  	_ =	shalt  }
0x4f: {  	_ =	shalt  }
0x50: {  	_ =	shalt  }
0x51: {  	_ =	shalt  }
0x52: {  	_ =	shalt  }
0x53: {  	_ =	shalt  }
0x54: {  	_ =	shalt  }
0x55: {  	_ =	shalt  }
0x56: {  	_ =	shalt  }
0x57: {  	_ =	shalt  }
0x58: {  	_ =	shalt  }
0x59: {  	_ =	shalt  }
0x5a: {  	_ =	shalt  }
0x5b: {  	_ =	shalt  }
0x5c: {  	_ =	shalt  }
0x5d: {  	_ =	shalt  }
0x5e: {  	_ =	shalt  }
0x5f: {  	_ =	shalt  }
0x60: {  	_ =	shalt  }
0x61: {  	_ =	shalt  }
0x62: {  	_ =	shalt  }
0x63: {  	_ =	shalt  }
0x64: {  	_ =	shalt  }
0x65: {  	_ =	shalt  }
0x66: {  	_ =	shalt  }
0x67: {  	_ =	shalt  }
0x68: {  	_ =	shalt  }
0x69: {  	_ =	shalt  }
0x6a: {  	_ =	shalt  }
0x6b: {  	_ =	shalt  }
0x6c: {  	_ =	shalt  }
0x6d: {  	_ =	shalt  }
0x6e: {  	_ =	shalt  }
0x6f: {  	_ =	shalt  }
0x70: {  	_ =	shalt  }
0x71: {  	_ =	shalt  }
0x72: {  	_ =	shalt  }
0x73: {  	_ =	shalt  }
0x74: {  	_ =	shalt  }
0x75: {  	_ =	shalt  }
0x76: {  	_ =	shalt  }
0x77: {  	_ =	shalt  }
0x78: {  	_ =	shalt  }
0x79: {  	_ =	shalt  }
0x7a: {  	_ =	shalt  }
0x7b: {  	_ =	shalt  }
0x7c: {  	_ =	shalt  }
0x7d: {  	_ =	shalt  }
0x7e: {  	_ =	shalt  }
0x7f: {  	_ =	shalt  }
0x80: {  	_ =	shalt  }
0x81: {  	_ =	shalt  }
0x82: {  	_ =	shalt  }
0x83: {  	_ =	shalt  }
0x84: {  	_ =	shalt  }
0x85: {  	_ =	shalt  }
0x86: {  	_ =	shalt  }
0x87: {  	_ =	shalt  }
.Lfunc_end0:
.L_simem_size_0:
called_computation_lowered:
.L_overlay_start_0:
0x88: {  	s2 =	sld [smem:$0x3FD9]  }
0x89: {  	s3 =	sld [smem:$0x3FFE];
	_ =	sdelay $0x1  }
0x8a: {  	s1 =	srdreg.scid  }
0x8b: {  	s0 =	sand.u32 $0x1, s1  }
0x8c: {  	s17 =	sshll.u32 s0, $0xA;
	s2 =	sadd.s32 s3, s2  }
0x8d: {  	s2 =	sadd.s32 s2, s17  }
0x8e: {  	[smem:$0x3FC4] =	sst s2  }
0x8f: {  	_ = 	snop  }
0x90: {  	s2 =	sld [smem:$0x3FD0];
	(tm) =	ssettm $0x1  }
0x91: {  	s18 =	sld [smem:$0x3FFB];
	_ =	sdelay $0x3  }
0x92: {  	_ =	strace s18  }
0x93: {  	s3 =	sld [smem:$0x3FFC];
	_ =	sdelay $0x3  }
0x94: {  	_ =	strace s3  }
0x95: {  	s3 =	sld [smem:$0x3FFD];
	_ =	sdelay $0x3  }
0x96: {  	_ =	strace s3  }
0x97: {  	_ =	strace $0x8FFFFFFF  }
0x98: {  	s19 =	sld [smem:$0x3FDB];
	_ =	sdelay $0x1  }
0x99: {  	s4 =	simm.s32 $_scs_section_size  }
0x9a: {  	s5 =	simm.s32 $_size__tile_overlayer_lowered;
	s6 =	simm.s32 $_tile_overlayer_lowered  }
0x9b: {  	s22 =	simm.s32 $0x1BFF;
	s21 =	sshll.u32 s6, $0x1;
	s3 =	sadd.s32 s4, s19  }
0x9c: {  	s7 =	simm.s32 $0x0;
	s20 =	sshll.u32 s5, $0x1;
	s5 =	sadd.s32 s21, s3  }
0x9d: {  	[timem:s7], [sflag:s22] =	dma.local [hbm:s5], s20  }
0x9e: {  	_ =	swait.ge [sflag:s22], s20  }
0x9f: {  	s4 =	ssub.s32 $0x0, s20;
	[sflag:s22] =	ssyncset.done $0x0  }
0xa0: {  	[sflag:s22] =	ssyncadd.s32 s4;
	_ =	sdelay $0x1  }
0xa1: {  	s23 =	simm.s32 $0x1B8B  }
0xa2: {  	_ =	swait.ge [sflag:s23], $0x1  }
0xa3: {  	[sflag:s23] =	ssyncset.done $0x0  }
0xa4: {  	s25 =	simm.s32 $0x1B8E;
	s24 =	sld [smem:$0x3FFE];
	[sflag:s23] =	ssyncadd.s32 $0xFFFFFFFF  }
0xa5: {  	s26 =	simm.s32 $execute0_lowered;
	[smem:$0x3FD2] =	sst s25  }
0xa6: {  	s5 =	sshll.u32 s26, $0x1;
	_ =	strace $0x80000046;
	[dreg:$0x1] =	wrdreg $0xFFFFFFFF  }
0xa7: {  	s28 =	simm.s32 $_size_execute0_lowered;
	s3 =	sadd.s32 s3, s5;
	[dreg:$0x0] =	wrdreg $0x0  }
0xa8: {  	s5 =	sshll.u32 s28, $0x1;
	[dreg:$0x2] =	wrdreg s3  }
0xa9: {  	[dreg:$0x3] =	wrdreg s5  }
0xaa: {  	[dreg:$0x4] =	wrdreg $0xC0  }
0xab: {  	_ =	task [dreg:s7], $0x5FFFF  }
0xac: {  	[dreg:$0x1] =	wrdreg $0xFFFFFFFF  }
0xad: {  	[dreg:$0x0] =	wrdreg $0x60  }
0xae: {  	[dreg:$0x2] =	wrdreg s24  }
0xaf: {  	[dreg:$0x3] =	wrdreg s2  }
0xb0: {  	[dreg:$0x4] =	wrdreg $0x9  }
0xb1: {  	_ =	task.clear_ibuf [dreg:s7], $0x5FFFF;
	_ =	strace $0x90000046  }
0xb2: {  	s29 =	simm.s32 $0x9;
	_ =	strace $0x80000048  }
0xb3: {  	_ =	swait.ge [sflag:s29], $0x1  }
0xb4: {  	[sflag:s29] =	ssyncadd.s32 $0xFFFFFFFF  }
0xb5: {  	_ =	strace $0x90000048  }
0xb6: {  	_ =	sfence  }
0xb7: {  	s30 =	sld [smem:$0x0];
	_ =	sdelay $0x2  }
0xb8: {  	s31 =	sshll.u32 s1, $0xD;
	s1 =	sshrl.u32 s1, $0x2  }
0xb9: {  	s3 =	sand.u32 $0x4000, s31;
	s1 =	sadd.s32 s1, s30  }
0xba: {  	s0 =	sor.u32 s3, s0;
	s1 =	sshll.u32 s1, $0x11  }
0xbb: {  	s0 =	sor.u32 s1, s0  }
0xbc: {  	s0 =	sadd.s32 $0x8F2B, s0  }
0xbd: {  	[sflag:s0] =	ssyncadd.remote.s32 $0x1  }
0xbe: {  	_ =	sfence.sel $0xFFFF  }
0xbf: {  	[dreg:$0x0] =	wrdreg $0xFFFFFFFF;
	(pc) =	sbr.abs _section_cstart, $3  }
0xc0: {  	[dreg:$0x1] =	wrdreg $0xFFFFFFFF  }
0xc1: {  	_ =	task.clear_ibuf [dreg:s7], $0x2FFFF;
	_ =	strace $0x9FFFFFFF  }
0xc2: {  	(tm) =	ssettm $0x7FFFFFFF  }
0xc3: {  	_ =	shalt  }
tec
execute0_lowered:
.L_overlay_start_1:
0x0: {  	(tag) =	ssettag $0x1  }
0x1: {  	s1 =	srdreg.scid;
	s5 =	rddreg [dreg:$0x0]  }
0x2: {  	s0 =	stileid.u32;
	s9 =	rddreg [dreg:$0x1];
	s6 =	sand.u32 $0x1, s1  }
0x3: {  	s2 =	simm.s32 $0x0;
	s3 =	sshll.u32 s0, $0x5;
	s4 =	sshll.u32 s6, $0x4  }
0x4: {  	s7 =	simm.s32 $0x80;
	[smem:$0x7FF] =	sst s2;
	s10 =	sor.u32 s4, s3  }
0x5: {  	s1 =	rddreg [dreg:$0x2];
	_ =	strace $0x80000047;
	s3 =	sshrl.u32 s10, $0x3  }
0x6: {  	s11 =	ssub.s32 $0x2, s6;
	s4 =	sadd.s32 s5, s3;
	s3 =	simm.s32 $0x2  }
0x7: {  	[tilespmem:s2], [sflag:$0x2] =	stream.linear.gather [hbm4b:s4+s2], $0x10, $0x38;
	[tilespmem:$0x880] =	vst v63  }
0x8: {  	s8 =	simm.s32 $0x1;
	s12 =	sshrl.u32 s11, $0x1;
	_ =	swait.ge [sflag:s3], $0x10  }
0x9: {  	s6 =	simm.s32 $0x10;
	s11 =	ssub.s32 s11, s12;
	[sflag:s3] =	ssyncset.done $0x0  }
0xa: {  	s5 =	sadd.s32 $0x200, s5;
	s31 =	smax.u32 s11, $0x1;
	[sflag:s3] =	ssyncadd.s32 $0xFFFFFFF0  }
0xb: {  	[tilespmem:s7], [sflag:$0x1] =	stream.indirect.gather [hbm4b:s5+s6], $0x80, s2, s6, $0xb8;
	[tilespmem:$0x880] =	vst v63  }
0xc: {  	p0 =	sne.s32 s31, $0x1;
	_ =	swait.ge [sflag:s8], $0x800  }
.Ltmp0:
0xd: {  	s10 =	sshll.u32 s10, $0x4;
	[sflag:s8] =	ssyncset.done $0x0;
	(pc) =	sbr.rel @!p0 .LBB2_2-.Ltmp0, $4  }
0xe: {  	s9 =	sadd.s32 s9, s10;
	[sflag:s8] =	ssyncadd.s32 $0xFFFFF800  }
0xf: {  	[hbm4b:s9+s2] =	stream.linear.scatter [tilespmem:s7], [sflag:$0x2], $0x800, $0x38;
	[tilespmem:$0x880] =	vst v63  }
0x10: {  	_ =	swait.ge [sflag:s3], $0x800  }
0x11: {  	s10 =	sadd.s32 $0xFFFFFFFF, s31;
	[sflag:s3] =	ssyncset.done $0x0  }
.LBB2_1:
0x12: {  	p0 =	sne.s32 s10, $0x1;
	s10 =	sadd.s32 $0xFFFFFFFF, s10;
	[sflag:s3] =	ssyncadd.s32 $0xFFFFF800  }
0x13: {  	[tilespmem:s2], [sflag:$0x2] =	stream.linear.gather [hbm4b:s4+s2], $0x10, $0x38;
	[tilespmem:$0x880] =	vst v63  }
0x14: {  	_ =	swait.ge [sflag:s3], $0x10  }
0x15: {  	[sflag:s3] =	ssyncset.done $0x0  }
0x16: {  	[sflag:s3] =	ssyncadd.s32 $0xFFFFFFF0  }
0x17: {  	[tilespmem:s7], [sflag:$0x1] =	stream.indirect.gather [hbm4b:s5+s6], $0x80, s2, s6, $0xb8;
	[tilespmem:$0x880] =	vst v63  }
0x18: {  	_ =	swait.ge [sflag:s8], $0x800  }
.Ltmp1:
0x19: {  	[sflag:s8] =	ssyncset.done $0x0;
	(pc) =	sbr.rel @p0 .LBB2_1-.Ltmp1, $4  }
0x1a: {  	[sflag:s8] =	ssyncadd.s32 $0xFFFFF800  }
0x1b: {  	[hbm4b:s9+s2] =	stream.linear.scatter [tilespmem:s7], [sflag:$0x2], $0x800, $0x38;
	[tilespmem:$0x880] =	vst v63  }
0x1c: {  	_ =	swait.ge [sflag:s3], $0x800  }
0x1d: {  	[sflag:s3] =	ssyncset.done $0x0  }
.LBB2_2:
0x1e: {  	[sflag:s3] =	ssyncadd.s32 $0xFFFFF800  }
0x1f: {  	_ =	sfence.sel $0x180000  }
0x20: {  	[bflag:$0x0] =	sbarrier.arrive $0xFFFF  }
0x21: {  	p0 =	sne.s32 s0, $0x0;
	_ =	strace $0x90000047  }
0x22: {  	s0 =	sadd.s32 @!p0 $0x100000, s1;
	[bflag:$0x2] =	sbarrier.arrive $0xFFFF  }
0x23: {  	[sflag:s0] =	ssyncadd.tile.s32 @!p0 $0x1;
	_ =	shalt  }
.Lfunc_end2:
_tile_overlayer_lowered:
.L_overlay_start_2:
0x24: {  	(tag) =	ssettag $0x2  }
0x25: {  	s0 =	rddreg [dreg:$0x0];
	s2 =	stileid.u32  }
0x26: {  	s1 =	rddreg [dreg:$0x1];
	p0 =	sne.s32 s2, $0x0  }
0x27: {  	s3 =	rddreg [dreg:$0x2];
	[bflag:$0x3] =	sbarrier.arrive $0xFFFF;
	s2 =	simm.s32 @!p0 $0x1C02  }
0x28: {  	[timem:s3], [sflag:s2] =	dma.local @!p0 [hbm:s0], s1  }
0x29: {  	s0 =	simm.s32 @!p0 $0x2  }
0x2a: {  	_ =	swait.ge @!p0 [sflag:s0], s1  }
0x2b: {  	s1 =	ssub.s32 @!p0 $0x0, s1;
	[sflag:s0] =	ssyncset.done @!p0 $0x0  }
0x2c: {  	[sflag:s0] =	ssyncadd.s32 @!p0 s1  }
0x2d: {  	[bflag:$0x3] =	sbarrier.arrive $0xFFFF  }
0x2e: {  	_ =	shalt  }

</sc_bundles>
